<compile_context>
chip_gen: v7x
topology: tpu7x:2x2x1
jax: 0.10.2.dev20260603
libtpu: 0.0.44.dev20260713+nightly
codegen_flags: <defaults>
</compile_context>

<pallas_src>
import functools

import jax
import jax.numpy as jnp
from jax import lax
from jax.experimental import pallas as pl
from jax.experimental.pallas import tpu as pltpu
from jax.experimental.pallas import tpu_sc as plsc

VOCAB = 30522
DIM = 768
MAX_POS = 512
BATCH = 4
SEQ = 512

NW = 32
TOK = BATCH * SEQ
TPW = TOK // NW
BT = 1024


def _gather_sc(ids_flat, word_embeddings):
    mesh = plsc.VectorSubcoreMesh(core_axis_name="c", subcore_axis_name="s")

    @functools.partial(
        pl.kernel,
        mesh=mesh,
        out_type=jax.ShapeDtypeStruct((TOK, DIM), jnp.float32),
        scratch_types=[
            pltpu.VMEM((TPW,), jnp.int32),
            pltpu.VMEM((TPW, DIM), jnp.float32),
            pltpu.SemaphoreType.DMA,
            pltpu.SemaphoreType.DMA,
            pltpu.SemaphoreType.DMA,
        ],
    )
    def body(ids_hbm, word_hbm, out_hbm, idx_v, rows_v, isem, gsem, ssem):
        wid = lax.axis_index("s") * 2 + lax.axis_index("c")
        base = wid * TPW
        h = TPW // 2
        pltpu.async_copy(ids_hbm.at[pl.ds(base, TPW)], idx_v, isem).wait()
        g1 = pltpu.async_copy(word_hbm.at[idx_v.at[pl.ds(0, h)]],
                              rows_v.at[pl.ds(0, h)], gsem)
        g2 = pltpu.async_copy(word_hbm.at[idx_v.at[pl.ds(h, h)]],
                              rows_v.at[pl.ds(h, h)], gsem)
        g1.wait()
        s1 = pltpu.async_copy(rows_v.at[pl.ds(0, h)],
                              out_hbm.at[pl.ds(base, h)], ssem)
        g2.wait()
        s2 = pltpu.async_copy(rows_v.at[pl.ds(h, h)],
                              out_hbm.at[pl.ds(base + h, h)], ssem)
        s1.wait()
        s2.wait()

    return body(ids_flat, word_embeddings)


def _ln_tc_body(g_ref, p_ref, gam_ref, bet_ref, o_ref):
    g = g_ref[...].reshape(BT // SEQ, SEQ, DIM)
    v = (g + p_ref[...][None]).reshape(BT, DIM)
    m = jnp.mean(v, axis=-1, keepdims=True)
    c = v - m
    var = jnp.mean(c * c, axis=-1, keepdims=True)
    o_ref[...] = (c * lax.rsqrt(var + 1e-12)) * gam_ref[...] + bet_ref[...]


def _ln_tc(gathered, position_embeddings, gamma, beta):
    return pl.pallas_call(
        _ln_tc_body,
        grid=(TOK // BT,),
        in_specs=[
            pl.BlockSpec((BT, DIM), lambda i: (i, 0)),
            pl.BlockSpec((SEQ, DIM), lambda i: (0, 0)),
            pl.BlockSpec((1, DIM), lambda i: (0, 0)),
            pl.BlockSpec((1, DIM), lambda i: (0, 0)),
        ],
        out_specs=pl.BlockSpec((BT, DIM), lambda i: (i, 0)),
        out_shape=jax.ShapeDtypeStruct((TOK, DIM), jnp.float32),
    )(gathered, position_embeddings, gamma[None, :], beta[None, :])


def kernel(input_ids, word_embeddings, position_embeddings, gamma, beta):
    ids_flat = input_ids.reshape(TOK).astype(jnp.int32)
    gathered = _gather_sc(ids_flat, word_embeddings)
    out = _ln_tc(gathered, position_embeddings, gamma, beta)
    return out.reshape(BATCH, SEQ, DIM)

# --- scband reference (transcript-rebuilt; emitter-appended) ---
"""Pipeline reference for scband-tt-distil-bert-embeddings-10746008174918 (READ-ONLY COPY).

The authoritative reference and input builder live on the scoring server;
editing this copy changes nothing except your own understanding.
"""

import jax, jax.numpy as jnp
import numpy as np

VOCAB = 30522
DIM = 768
MAX_POS = 512
BATCH = 4
SEQ = 512

def setup_inputs(seed: int = 0) -> dict:
    key = jax.random.key(seed)
    k1, k2, k3, k4, k5 = jax.random.split(key, 5)
    input_ids = jax.random.randint(k1, (BATCH, SEQ), 0, VOCAB, dtype=jnp.int64 if jax.config.jax_enable_x64 else jnp.int32).astype(jnp.int32)
    word_embeddings = jax.random.normal(k2, (VOCAB, DIM), dtype=jnp.float32) * 0.02
    position_embeddings = jax.random.normal(k3, (MAX_POS, DIM), dtype=jnp.float32) * 0.02
    gamma = jnp.ones((DIM,), dtype=jnp.float32) + 0.01 * jax.random.normal(k4, (DIM,), dtype=jnp.float32)
    beta = 0.01 * jax.random.normal(k5, (DIM,), dtype=jnp.float32)
    return {
        "input_ids": input_ids,
        "word_embeddings": word_embeddings,
        "position_embeddings": position_embeddings,
        "gamma": gamma,
        "beta": beta,
    }

def reference(input_ids, word_embeddings, position_embeddings, gamma, beta):
    # word embedding gather: [B, S, D]
    input_embeds = jnp.take(word_embeddings, input_ids, axis=0)
    seq_length = input_ids.shape[-1]
    # position_ids = arange(seq_length), broadcast over batch
    pos_embeds = position_embeddings[:seq_length][None, :, :]
    embeddings = input_embeds + pos_embeds
    # LayerNorm over last dim, eps=1e-12
    mean = jnp.mean(embeddings, axis=-1, keepdims=True)
    var = jnp.mean(jnp.square(embeddings - mean), axis=-1, keepdims=True)
    normed = (embeddings - mean) / jnp.sqrt(var + 1e-12)
    out = normed * gamma + beta
    return out

if __name__ == "__main__":
    import jax
    _d = setup_inputs()
    print(jax.jit(kernel)(*tuple(_d.values())))

</pallas_src>

<mosaic_0001>
#map = affine_map<(d0, d1) -> (0)>
#map1 = affine_map<(d0, d1) -> (0, 0)>
module attributes {stable_mosaic.version = 14 : i64} {
  func.func @body(%arg0: i32, %arg1: i32, %arg2: memref<2048xi32, #tpu.memory_space<hbm>>, %arg3: memref<30522x768xf32, #tpu.memory_space<hbm>>, %arg4: memref<2048x768xf32, #tpu.memory_space<hbm>>, %arg5: memref<64xi32, #tpu.memory_space<vmem>>, %arg6: memref<64x768xf32, #tpu.memory_space<vmem>>, %arg7: memref<!tpu.dma_semaphore, #tpu.memory_space<semaphore_mem>>, %arg8: memref<!tpu.dma_semaphore, #tpu.memory_space<semaphore_mem>>, %arg9: memref<!tpu.dma_semaphore, #tpu.memory_space<semaphore_mem>>) attributes {dimension_semantics = [#tpu.dimension_semantics<core_parallel>, #tpu.dimension_semantics<subcore_parallel>], iteration_bounds = array<i64: 2, 16>, scalar_prefetch = 0 : i64, scratch_operands = 5 : i64, tpu.core_type = #tpu.core_type<sc_vector_subcore>, window_params = [{transform_indices = #map}, {transform_indices = #map1}, {transform_indices = #map1}]} {
    %mul3A = arith.constant 2 : i32
    %mul3A_0 = arith.muli %arg1, %mul3A : i32
    %add3A = arith.addi %mul3A_0, %arg0 : i32
    %mul3A_1 = arith.constant 64 : i32
    %mul3A_2 = arith.muli %add3A, %mul3A_1 : i32
    %dma_start3A = tpu.memref_slice %arg2[%mul3A_2] : memref<2048xi32, #tpu.memory_space<hbm>> -> memref<64xi32, #tpu.memory_space<hbm>>
    %dma_start3A_3 = tpu.memref_slice %arg2[%mul3A_2] : memref<2048xi32, #tpu.memory_space<hbm>> -> memref<64xi32, #tpu.memory_space<hbm>>
    tpu.enqueue_dma source(%dma_start3A_3 : memref<64xi32, #tpu.memory_space<hbm>>) target(%arg5 : memref<64xi32, #tpu.memory_space<vmem>>) target_semaphore(%arg7 : memref<!tpu.dma_semaphore, #tpu.memory_space<semaphore_mem>>)
    %dma_wait3A = tpu.memref_slice %arg2[%mul3A_2] : memref<2048xi32, #tpu.memory_space<hbm>> -> memref<64xi32, #tpu.memory_space<hbm>>
    %dma_wait3A_4 = tpu.memref_slice %arg2[%mul3A_2] : memref<2048xi32, #tpu.memory_space<hbm>> -> memref<64xi32, #tpu.memory_space<hbm>>
    tpu.wait_dma2 semaphore(%arg7 : memref<!tpu.dma_semaphore, #tpu.memory_space<semaphore_mem>>) src(%dma_wait3A_4 : memref<64xi32, #tpu.memory_space<hbm>>) dst(%arg5 : memref<64xi32, #tpu.memory_space<vmem>>)
    %dma_start3A_5 = arith.constant 0 : i32
    %dma_start3A_6 = arith.constant 0 : i32
    %dma_start3A_7 = tpu.memref_slice %arg6[%dma_start3A_5, %dma_start3A_6] : memref<64x768xf32, #tpu.memory_space<vmem>> -> memref<32x768xf32, #tpu.memory_space<vmem>>
    %dma_start3A_8 = arith.constant 0 : i32
    %dma_start3A_9 = tpu.memref_slice %arg5[%dma_start3A_8] : memref<64xi32, #tpu.memory_space<vmem>> -> memref<32xi32, #tpu.memory_space<vmem>>
    %dma_start3A_10 = arith.constant 0 : i32
    %dma_start3A_11 = arith.constant 0 : i32
    %dma_start3A_12 = tpu.memref_slice %arg3[%dma_start3A_10, %dma_start3A_11] : memref<30522x768xf32, #tpu.memory_space<hbm>> -> memref<30522x768xf32, #tpu.memory_space<hbm>>
    tpu.enqueue_indirect_dma source(%dma_start3A_12 : memref<30522x768xf32, #tpu.memory_space<hbm>>) target(%dma_start3A_7 : memref<32x768xf32, #tpu.memory_space<vmem>>) offsets(%dma_start3A_9 : memref<32xi32, #tpu.memory_space<vmem>>) semaphore(%arg8 : memref<!tpu.dma_semaphore, #tpu.memory_space<semaphore_mem>>)
    %dma_start3A_13 = arith.constant 32 : i32
    %dma_start3A_14 = arith.constant 0 : i32
    %dma_start3A_15 = tpu.memref_slice %arg6[%dma_start3A_13, %dma_start3A_14] : memref<64x768xf32, #tpu.memory_space<vmem>> -> memref<32x768xf32, #tpu.memory_space<vmem>>
    %dma_start3A_16 = arith.constant 32 : i32
    %dma_start3A_17 = tpu.memref_slice %arg5[%dma_start3A_16] : memref<64xi32, #tpu.memory_space<vmem>> -> memref<32xi32, #tpu.memory_space<vmem>>
    %dma_start3A_18 = arith.constant 0 : i32
    %dma_start3A_19 = arith.constant 0 : i32
    %dma_start3A_20 = tpu.memref_slice %arg3[%dma_start3A_18, %dma_start3A_19] : memref<30522x768xf32, #tpu.memory_space<hbm>> -> memref<30522x768xf32, #tpu.memory_space<hbm>>
    tpu.enqueue_indirect_dma source(%dma_start3A_20 : memref<30522x768xf32, #tpu.memory_space<hbm>>) target(%dma_start3A_15 : memref<32x768xf32, #tpu.memory_space<vmem>>) offsets(%dma_start3A_17 : memref<32xi32, #tpu.memory_space<vmem>>) semaphore(%arg8 : memref<!tpu.dma_semaphore, #tpu.memory_space<semaphore_mem>>)
    %dma_wait3A_21 = arith.constant 0 : i32
    %dma_wait3A_22 = arith.constant 0 : i32
    %dma_wait3A_23 = tpu.memref_slice %arg6[%dma_wait3A_21, %dma_wait3A_22] : memref<64x768xf32, #tpu.memory_space<vmem>> -> memref<32x768xf32, #tpu.memory_space<vmem>>
    %dma_wait3A_24 = arith.constant 0 : i32
    %dma_wait3A_25 = tpu.memref_slice %arg5[%dma_wait3A_24] : memref<64xi32, #tpu.memory_space<vmem>> -> memref<32xi32, #tpu.memory_space<vmem>>
    %dma_wait3A_26 = arith.constant 0 : i32
    %dma_wait3A_27 = arith.constant 0 : i32
    %dma_wait3A_28 = tpu.memref_slice %arg3[%dma_wait3A_26, %dma_wait3A_27] : memref<30522x768xf32, #tpu.memory_space<hbm>> -> memref<30522x768xf32, #tpu.memory_space<hbm>>
    tpu.wait_indirect_dma semaphore(%arg8 : memref<!tpu.dma_semaphore, #tpu.memory_space<semaphore_mem>>) src(%dma_wait3A_28 : memref<30522x768xf32, #tpu.memory_space<hbm>>) dst(%dma_wait3A_23 : memref<32x768xf32, #tpu.memory_space<vmem>>)
    %dma_start3A_29 = arith.constant 0 : i32
    %dma_start3A_30 = arith.constant 0 : i32
    %dma_start3A_31 = tpu.memref_slice %arg6[%dma_start3A_29, %dma_start3A_30] : memref<64x768xf32, #tpu.memory_space<vmem>> -> memref<32x768xf32, #tpu.memory_space<vmem>>
    %dma_start3A_32 = arith.constant 0 : i32
    %dma_start3A_33 = tpu.memref_slice %arg4[%mul3A_2, %dma_start3A_32] : memref<2048x768xf32, #tpu.memory_space<hbm>> -> memref<32x768xf32, #tpu.memory_space<hbm>>
    %dma_start3A_34 = arith.constant 0 : i32
    %dma_start3A_35 = tpu.memref_slice %arg4[%mul3A_2, %dma_start3A_34] : memref<2048x768xf32, #tpu.memory_space<hbm>> -> memref<32x768xf32, #tpu.memory_space<hbm>>
    %dma_start3A_36 = arith.constant 0 : i32
    %dma_start3A_37 = arith.constant 0 : i32
    %dma_start3A_38 = tpu.memref_slice %arg6[%dma_start3A_36, %dma_start3A_37] : memref<64x768xf32, #tpu.memory_space<vmem>> -> memref<32x768xf32, #tpu.memory_space<vmem>>
    tpu.enqueue_dma source(%dma_start3A_38 : memref<32x768xf32, #tpu.memory_space<vmem>>) target(%dma_start3A_35 : memref<32x768xf32, #tpu.memory_space<hbm>>) target_semaphore(%arg9 : memref<!tpu.dma_semaphore, #tpu.memory_space<semaphore_mem>>)
    %dma_wait3A_39 = arith.constant 32 : i32
    %dma_wait3A_40 = arith.constant 0 : i32
    %dma_wait3A_41 = tpu.memref_slice %arg6[%dma_wait3A_39, %dma_wait3A_40] : memref<64x768xf32, #tpu.memory_space<vmem>> -> memref<32x768xf32, #tpu.memory_space<vmem>>
    %dma_wait3A_42 = arith.constant 32 : i32
    %dma_wait3A_43 = tpu.memref_slice %arg5[%dma_wait3A_42] : memref<64xi32, #tpu.memory_space<vmem>> -> memref<32xi32, #tpu.memory_space<vmem>>
    %dma_wait3A_44 = arith.constant 0 : i32
    %dma_wait3A_45 = arith.constant 0 : i32
    %dma_wait3A_46 = tpu.memref_slice %arg3[%dma_wait3A_44, %dma_wait3A_45] : memref<30522x768xf32, #tpu.memory_space<hbm>> -> memref<30522x768xf32, #tpu.memory_space<hbm>>
    tpu.wait_indirect_dma semaphore(%arg8 : memref<!tpu.dma_semaphore, #tpu.memory_space<semaphore_mem>>) src(%dma_wait3A_46 : memref<30522x768xf32, #tpu.memory_space<hbm>>) dst(%dma_wait3A_41 : memref<32x768xf32, #tpu.memory_space<vmem>>)
    %add3A_47 = arith.constant 32 : i32
    %add3A_48 = arith.addi %mul3A_2, %add3A_47 : i32
    %dma_start3A_49 = arith.constant 32 : i32
    %dma_start3A_50 = arith.constant 0 : i32
    %dma_start3A_51 = tpu.memref_slice %arg6[%dma_start3A_49, %dma_start3A_50] : memref<64x768xf32, #tpu.memory_space<vmem>> -> memref<32x768xf32, #tpu.memory_space<vmem>>
    %dma_start3A_52 = arith.constant 0 : i32
    %dma_start3A_53 = tpu.memref_slice %arg4[%add3A_48, %dma_start3A_52] : memref<2048x768xf32, #tpu.memory_space<hbm>> -> memref<32x768xf32, #tpu.memory_space<hbm>>
    %dma_start3A_54 = arith.constant 0 : i32
    %dma_start3A_55 = tpu.memref_slice %arg4[%add3A_48, %dma_start3A_54] : memref<2048x768xf32, #tpu.memory_space<hbm>> -> memref<32x768xf32, #tpu.memory_space<hbm>>
    %dma_start3A_56 = arith.constant 32 : i32
    %dma_start3A_57 = arith.constant 0 : i32
    %dma_start3A_58 = tpu.memref_slice %arg6[%dma_start3A_56, %dma_start3A_57] : memref<64x768xf32, #tpu.memory_space<vmem>> -> memref<32x768xf32, #tpu.memory_space<vmem>>
    tpu.enqueue_dma source(%dma_start3A_58 : memref<32x768xf32, #tpu.memory_space<vmem>>) target(%dma_start3A_55 : memref<32x768xf32, #tpu.memory_space<hbm>>) target_semaphore(%arg9 : memref<!tpu.dma_semaphore, #tpu.memory_space<semaphore_mem>>)
    %dma_wait3A_59 = arith.constant 0 : i32
    %dma_wait3A_60 = arith.constant 0 : i32
    %dma_wait3A_61 = tpu.memref_slice %arg6[%dma_wait3A_59, %dma_wait3A_60] : memref<64x768xf32, #tpu.memory_space<vmem>> -> memref<32x768xf32, #tpu.memory_space<vmem>>
    %dma_wait3A_62 = arith.constant 0 : i32
    %dma_wait3A_63 = tpu.memref_slice %arg4[%mul3A_2, %dma_wait3A_62] : memref<2048x768xf32, #tpu.memory_space<hbm>> -> memref<32x768xf32, #tpu.memory_space<hbm>>
    %dma_wait3A_64 = arith.constant 0 : i32
    %dma_wait3A_65 = tpu.memref_slice %arg4[%mul3A_2, %dma_wait3A_64] : memref<2048x768xf32, #tpu.memory_space<hbm>> -> memref<32x768xf32, #tpu.memory_space<hbm>>
    %dma_wait3A_66 = arith.constant 0 : i32
    %dma_wait3A_67 = arith.constant 0 : i32
    %dma_wait3A_68 = tpu.memref_slice %arg6[%dma_wait3A_66, %dma_wait3A_67] : memref<64x768xf32, #tpu.memory_space<vmem>> -> memref<32x768xf32, #tpu.memory_space<vmem>>
    tpu.wait_dma2 semaphore(%arg9 : memref<!tpu.dma_semaphore, #tpu.memory_space<semaphore_mem>>) src(%dma_wait3A_68 : memref<32x768xf32, #tpu.memory_space<vmem>>) dst(%dma_wait3A_65 : memref<32x768xf32, #tpu.memory_space<hbm>>)
    %dma_wait3A_69 = arith.constant 32 : i32
    %dma_wait3A_70 = arith.constant 0 : i32
    %dma_wait3A_71 = tpu.memref_slice %arg6[%dma_wait3A_69, %dma_wait3A_70] : memref<64x768xf32, #tpu.memory_space<vmem>> -> memref<32x768xf32, #tpu.memory_space<vmem>>
    %dma_wait3A_72 = arith.constant 0 : i32
    %dma_wait3A_73 = tpu.memref_slice %arg4[%add3A_48, %dma_wait3A_72] : memref<2048x768xf32, #tpu.memory_space<hbm>> -> memref<32x768xf32, #tpu.memory_space<hbm>>
    %dma_wait3A_74 = arith.constant 0 : i32
    %dma_wait3A_75 = tpu.memref_slice %arg4[%add3A_48, %dma_wait3A_74] : memref<2048x768xf32, #tpu.memory_space<hbm>> -> memref<32x768xf32, #tpu.memory_space<hbm>>
    %dma_wait3A_76 = arith.constant 32 : i32
    %dma_wait3A_77 = arith.constant 0 : i32
    %dma_wait3A_78 = tpu.memref_slice %arg6[%dma_wait3A_76, %dma_wait3A_77] : memref<64x768xf32, #tpu.memory_space<vmem>> -> memref<32x768xf32, #tpu.memory_space<vmem>>
    tpu.wait_dma2 semaphore(%arg9 : memref<!tpu.dma_semaphore, #tpu.memory_space<semaphore_mem>>) src(%dma_wait3A_78 : memref<32x768xf32, #tpu.memory_space<vmem>>) dst(%dma_wait3A_75 : memref<32x768xf32, #tpu.memory_space<hbm>>)
    return
  }
}

module attributes {stable_mosaic.version = 14 : i64} {
  func.func @_ln_tc_body(%arg0: i32, %arg1: memref<1024x768xf32, #tpu.memory_space<vmem>>, %arg2: memref<512x768xf32, #tpu.memory_space<vmem>>, %arg3: memref<1x768xf32, #tpu.memory_space<vmem>>, %arg4: memref<1x768xf32, #tpu.memory_space<vmem>>, %arg5: memref<1024x768xf32, #tpu.memory_space<vmem>>) attributes {dimension_semantics = [#tpu.dimension_semantics<arbitrary>], iteration_bounds = array<i64: 2>, scalar_prefetch = 0 : i64, scratch_operands = 0 : i64, tpu.core_type = #tpu.core_type<tc>, window_params = [{transform_indices = @transform_0, window_bounds = array<i64: 1024, 768>}, {pipeline_mode = #tpu.pipeline_mode<synchronous>, transform_indices = @transform_1, window_bounds = array<i64: 512, 768>}, {pipeline_mode = #tpu.pipeline_mode<synchronous>, transform_indices = @transform_2, window_bounds = array<i64: 1, 768>}, {pipeline_mode = #tpu.pipeline_mode<synchronous>, transform_indices = @transform_3, window_bounds = array<i64: 1, 768>}, {transform_indices = @transform_4, window_bounds = array<i64: 1024, 768>}]} {
    %get3A = arith.constant 0 : index
    %get3A_0 = arith.constant 0 : index
    %get3A_1 = vector.load %arg1[%get3A, %get3A_0] : memref<1024x768xf32, #tpu.memory_space<vmem>>, vector<1024x768xf32>
    %reshape3A = vector.shape_cast %get3A_1 : vector<1024x768xf32> to vector<2x512x768xf32>
    %get3A_2 = arith.constant 0 : index
    %get3A_3 = arith.constant 0 : index
    %get3A_4 = vector.load %arg2[%get3A_2, %get3A_3] : memref<512x768xf32, #tpu.memory_space<vmem>>, vector<512x768xf32>
    %broadcast_in_dim3A = vector.shape_cast %get3A_4 : vector<512x768xf32> to vector<1x512x768xf32>
    %add3A = vector.broadcast %broadcast_in_dim3A : vector<1x512x768xf32> to vector<2x512x768xf32>
    %add3A_5 = arith.addf %reshape3A, %add3A : vector<2x512x768xf32>
    %reshape3A_6 = vector.shape_cast %add3A_5 : vector<2x512x768xf32> to vector<1024x768xf32>
    %reduce_sum3A = arith.constant dense<0.000000e+00> : vector<1024xf32>
    %reduce_sum3A_7 = vector.multi_reduction <add>, %reshape3A_6, %reduce_sum3A [1] : vector<1024x768xf32> to vector<1024xf32>
    %broadcast_in_dim3A_8 = vector.shape_cast %reduce_sum3A_7 : vector<1024xf32> to vector<1024x1xf32>
    %div3A = arith.constant 7.680000e+02 : f32
    %div3A_9 = vector.broadcast %div3A : f32 to vector<1024x1xf32>
    %div3A_10 = arith.divf %broadcast_in_dim3A_8, %div3A_9 : vector<1024x1xf32>
    %sub3A = vector.broadcast %div3A_10 : vector<1024x1xf32> to vector<1024x768xf32>
    %sub3A_11 = arith.subf %reshape3A_6, %sub3A : vector<1024x768xf32>
    %mul3A = arith.mulf %sub3A_11, %sub3A_11 : vector<1024x768xf32>
    %reduce_sum3A_12 = arith.constant dense<0.000000e+00> : vector<1024xf32>
    %reduce_sum3A_13 = vector.multi_reduction <add>, %mul3A, %reduce_sum3A_12 [1] : vector<1024x768xf32> to vector<1024xf32>
    %broadcast_in_dim3A_14 = vector.shape_cast %reduce_sum3A_13 : vector<1024xf32> to vector<1024x1xf32>
    %div3A_15 = arith.constant 7.680000e+02 : f32
    %div3A_16 = vector.broadcast %div3A_15 : f32 to vector<1024x1xf32>
    %div3A_17 = arith.divf %broadcast_in_dim3A_14, %div3A_16 : vector<1024x1xf32>
    %add3A_18 = arith.constant 9.99999996E-13 : f32
    %add3A_19 = vector.broadcast %add3A_18 : f32 to vector<1024x1xf32>
    %add3A_20 = arith.addf %div3A_17, %add3A_19 : vector<1024x1xf32>
    %rsqrt3A = math.rsqrt %add3A_20 : vector<1024x1xf32>
    %mul3A_21 = vector.broadcast %rsqrt3A : vector<1024x1xf32> to vector<1024x768xf32>
    %mul3A_22 = arith.mulf %sub3A_11, %mul3A_21 : vector<1024x768xf32>
    %get3A_23 = arith.constant 0 : index
    %get3A_24 = arith.constant 0 : index
    %get3A_25 = vector.load %arg3[%get3A_23, %get3A_24] : memref<1x768xf32, #tpu.memory_space<vmem>>, vector<1x768xf32>
    %mul3A_26 = vector.broadcast %get3A_25 : vector<1x768xf32> to vector<1024x768xf32>
    %mul3A_27 = arith.mulf %mul3A_22, %mul3A_26 : vector<1024x768xf32>
    %get3A_28 = arith.constant 0 : index
    %get3A_29 = arith.constant 0 : index
    %get3A_30 = vector.load %arg4[%get3A_28, %get3A_29] : memref<1x768xf32, #tpu.memory_space<vmem>>, vector<1x768xf32>
    %add3A_31 = vector.broadcast %get3A_30 : vector<1x768xf32> to vector<1024x768xf32>
    %add3A_32 = arith.addf %mul3A_27, %add3A_31 : vector<1024x768xf32>
    %swap3A = arith.constant 0 : index
    %swap3A_33 = arith.constant 0 : index
    %swap3A_34 = vector.load %arg5[%swap3A, %swap3A_33] : memref<1024x768xf32, #tpu.memory_space<vmem>>, vector<1024x768xf32>
    tpu.vector_store %arg5[%swap3A, %swap3A_33], %add3A_32 {strides = array<i32>} : memref<1024x768xf32, #tpu.memory_space<vmem>>, vector<1024x768xf32>,
    return
  }
  func.func @transform_0(%arg0: i32) -> (i32, i32) {
    %c0_i32 = arith.constant 0 : i32
    %c0_i32_0 = arith.constant 0 : i32
    return %arg0, %c0_i32 : i32, i32
  }
  func.func @transform_1(%arg0: i32) -> (i32, i32) {
    %c0_i32 = arith.constant 0 : i32
    %c0_i32_0 = arith.constant 0 : i32
    %c0_i32_1 = arith.constant 0 : i32
    return %c0_i32, %c0_i32_0 : i32, i32
  }
  func.func @transform_2(%arg0: i32) -> (i32, i32) {
    %c0_i32 = arith.constant 0 : i32
    %c0_i32_0 = arith.constant 0 : i32
    %c0_i32_1 = arith.constant 0 : i32
    return %c0_i32, %c0_i32_0 : i32, i32
  }
  func.func @transform_3(%arg0: i32) -> (i32, i32) {
    %c0_i32 = arith.constant 0 : i32
    %c0_i32_0 = arith.constant 0 : i32
    %c0_i32_1 = arith.constant 0 : i32
    return %c0_i32, %c0_i32_0 : i32, i32
  }
  func.func @transform_4(%arg0: i32) -> (i32, i32) {
    %c0_i32 = arith.constant 0 : i32
    %c0_i32_0 = arith.constant 0 : i32
    return %arg0, %c0_i32 : i32, i32
  }
}

</mosaic_0001>

<sc_bundles>
// kernel: kernel.4.cloned.1.call-start
scs
__scs_entry_jumppad:
0x0: {  	(pc) =	sbr.rel $0x88, $3  }
0x1: {  	(tag) =	ssettag $0x0;
	lr =	simm.s32 $0x1  }
0x2: {  	[smem:$0x3F9C] =	sst lr;
	_ =	strace $0xD0000000  }
0x3: {  	_ = 	snop  }
0x4: {  	_ = 	snop  }
0x5: {  	_ = 	snop  }
0x6: {  	_ = 	snop  }
0x7: {  	_ = 	snop  }
__scs_overlays_trampoline_lowered:
0x8: {  	[smem:$0x3FAB] =	sst s0  }
0x9: {  	[smem:$0x3FAC] =	sst s1  }
0xa: {  	[smem:$0x3FAD] =	sst s2  }
0xb: {  	[smem:$0x3FAE] =	sst s3  }
0xc: {  	[smem:$0x3FAF] =	sst s4  }
0xd: {  	[smem:$0x3FB0] =	sst s5  }
0xe: {  	[smem:$0x3FB1] =	sst s6  }
0xf: {  	[smem:$0x3FB2] =	sst s7  }
0x10: {  	[smem:$0x3FB3] =	sst s8  }
0x11: {  	[smem:$0x3FB4] =	sst s9;
	s0 =	simm.s32 @!p0 $0x0  }
0x12: {  	s1 =	sld [smem:$0x3F9A];
	s0 =	simm.s32 @p0 $0x1  }
0x13: {  	[smem:$0x3FB5] =	sst s0;
	s0 =	simm.s32 @!p1 $0x0  }
0x14: {  	s2 =	sld [smem:$0x3F99];
	s0 =	simm.s32 @p1 $0x1  }
0x15: {  	[smem:$0x3FB6] =	sst s0;
	s0 =	simm.s32 @!p2 $0x0  }
0x16: {  	s3 =	sld [smem:$0x3FDB];
	s0 =	simm.s32 @p2 $0x1  }
0x17: {  	s4 =	simm.s32 $0x1BF5;
	[smem:$0x3FB8] =	sst s0  }
0x18: {  	s0 =	sld [smem:$0x3F9B];
	_ =	swait.ge [sflag:s4], $0x0  }
0x19: {  	s7 =	sld [smem:$0x3F9C]  }
0x1a: {  	s8 =	sadd.s32 $0xFFFFE003, lr  }
0x1b: {  	s9 =	sadd.s32 $0xFFFFFEF7, lr;
	s5 =	simm.s32 $0xFFFFFFFF;
	p2 =	slt.u32 s8, $0xFFFFF086  }
0x1c: {  	p1 =	slt.u32 s9, $0xF7A;
	s5 =	simm.s32 @!p2 $0x0  }
0x1d: {  	s5 =	simm.s32 @p1 $0x1;
	p0 =	seq.s32 s7, s2  }
0x1e: {  	s7 =	smul.u32 @!p0 $0xF7A, s2;
	p2 =	seq.s32 @!p0 s5, $0x0  }
0x1f: {  	s9 =	smul.u32 $0xF7A, s1;
	s8 =	simm.s32 @!p0 $0x1BF5;
	p2 =	por !p2, p0  }
0x20: {  	[sflag:s8] =	ssyncset.s32 @!p0 $0xFFFFF086;
	s6 =	sadd.s32 @!p0 s3, s7;
	s7 =	simm.s32 @!p0 $0x108  }
0x21: {  	s3 =	sadd.s32 s3, s9;
	s6 =	sadd.s32 @!p0 $0x88, s6;
	s7 =	simm.s32 @p2 $0x1082  }
0x22: {  	[simem:s7], [sflag:s8] =	dma.local @!p0 [hbm:s6], $0xF7A  }
0x23: {  	s9 =	sor.u32 $0xD0000000, s2;
	s6 =	simm.s32 $0x108;
	_ =	swait.ge @!p0 [sflag:s8], $0x0  }
0x24: {  	s3 =	sadd.s32 $0x88, s3;
	s6 =	simm.s32 @!p1 $0x1082;
	[sflag:s4] =	ssyncset.s32 $0xFFFFF086  }
0x25: {  	[simem:s6], [sflag:s4] =	dma.local [hbm:s3], $0xF7A  }
0x26: {  	[smem:$0x3F9C] =	sst s1;
	(tag) =	ssettag s2;
	_ =	strace s9  }
0x27: {  	s1 =	sld [smem:$0x3FAC]  }
0x28: {  	s2 =	sld [smem:$0x3FAD]  }
0x29: {  	s4 =	sld [smem:$0x3FAF]  }
0x2a: {  	p0 =	seq.s32 s5, $0x0;
	s5 =	sld [smem:$0x3FB0]  }
0x2b: {  	s6 =	sld [smem:$0x3FB1]  }
0x2c: {  	s7 =	sld [smem:$0x3FB2]  }
0x2d: {  	s3 =	simm.s32 $0x108;
	s8 =	sld [smem:$0x3FB3]  }
0x2e: {  	s3 =	simm.s32 @!p0 $0x1082;
	s9 =	sld [smem:$0x3FB4]  }
0x2f: {  	lr =	sadd.s32 s0, s3;
	s0 =	sld [smem:$0x3FAB]  }
0x30: {  	s3 =	sld [smem:$0x3FAE]  }
0x31: {  	[smem:$0x3FB7] =	sst s10  }
0x32: {  	s10 =	sld [smem:$0x3FB5];
	_ =	sdelay $0x3  }
0x33: {  	p0 =	seq.s32 s10, $0x1;
	s10 =	sld [smem:$0x3FB7];
	_ =	sdelay $0x3  }
0x34: {  	[smem:$0x3FB7] =	sst s10  }
0x35: {  	s10 =	sld [smem:$0x3FB6];
	_ =	sdelay $0x3  }
0x36: {  	p1 =	seq.s32 s10, $0x1;
	s10 =	sld [smem:$0x3FB7];
	_ =	sdelay $0x3  }
0x37: {  	[smem:$0x3FB7] =	sst s10  }
0x38: {  	s10 =	sld [smem:$0x3FB8]  }
0x39: {  	_ = 	snop;
	(pc) =	sbr.ind lr, $3  }
0x3a: {  	_ = 	snop  }
0x3b: {  	_ = 	snop  }
0x3c: {  	p2 =	seq.s32 s10, $0x1;
	s10 =	sld [smem:$0x3FB7]  }
0x3d: {  	_ =	shalt  }
0x3e: {  	_ =	shalt  }
0x3f: {  	_ =	shalt  }
0x40: {  	_ =	shalt  }
0x41: {  	_ =	shalt  }
0x42: {  	_ =	shalt  }
0x43: {  	_ =	shalt  }
0x44: {  	_ =	shalt  }
0x45: {  	_ =	shalt  }
0x46: {  	_ =	shalt  }
0x47: {  	_ =	shalt  }
0x48: {  	_ =	shalt  }
0x49: {  	_ =	shalt  }
0x4a: {  	_ =	shalt  }
0x4b: {  	_ =	shalt  }
0x4c: {  	_ =	shalt  }
0x4d: {  	_ =	shalt  }
0x4e: {  	_ =	shalt  }
0x4f: {  	_ =	shalt  }
0x50: {  	_ =	shalt  }
0x51: {  	_ =	shalt  }
0x52: {  	_ =	shalt  }
0x53: {  	_ =	shalt  }
0x54: {  	_ =	shalt  }
0x55: {  	_ =	shalt  }
0x56: {  	_ =	shalt  }
0x57: {  	_ =	shalt  }
0x58: {  	_ =	shalt  }
0x59: {  	_ =	shalt  }
0x5a: {  	_ =	shalt  }
0x5b: {  	_ =	shalt  }
0x5c: {  	_ =	shalt  }
0x5d: {  	_ =	shalt  }
0x5e: {  	_ =	shalt  }
0x5f: {  	_ =	shalt  }
0x60: {  	_ =	shalt  }
0x61: {  	_ =	shalt  }
0x62: {  	_ =	shalt  }
0x63: {  	_ =	shalt  }
0x64: {  	_ =	shalt  }
0x65: {  	_ =	shalt  }
0x66: {  	_ =	shalt  }
0x67: {  	_ =	shalt  }
0x68: {  	_ =	shalt  }
0x69: {  	_ =	shalt  }
0x6a: {  	_ =	shalt  }
0x6b: {  	_ =	shalt  }
0x6c: {  	_ =	shalt  }
0x6d: {  	_ =	shalt  }
0x6e: {  	_ =	shalt  }
0x6f: {  	_ =	shalt  }
0x70: {  	_ =	shalt  }
0x71: {  	_ =	shalt  }
0x72: {  	_ =	shalt  }
0x73: {  	_ =	shalt  }
0x74: {  	_ =	shalt  }
0x75: {  	_ =	shalt  }
0x76: {  	_ =	shalt  }
0x77: {  	_ =	shalt  }
0x78: {  	_ =	shalt  }
0x79: {  	_ =	shalt  }
0x7a: {  	_ =	shalt  }
0x7b: {  	_ =	shalt  }
0x7c: {  	_ =	shalt  }
0x7d: {  	_ =	shalt  }
0x7e: {  	_ =	shalt  }
0x7f: {  	_ =	shalt  }
0x80: {  	_ =	shalt  }
0x81: {  	_ =	shalt  }
0x82: {  	_ =	shalt  }
0x83: {  	_ =	shalt  }
0x84: {  	_ =	shalt  }
0x85: {  	_ =	shalt  }
0x86: {  	_ =	shalt  }
0x87: {  	_ =	shalt  }
.Lfunc_end0:
.L_simem_size_0:
called_computation_lowered:
.L_overlay_start_0:
0x88: {  	s2 =	sld [smem:$0x3FD9]  }
0x89: {  	s3 =	sld [smem:$0x3FFE];
	_ =	sdelay $0x1  }
0x8a: {  	s1 =	srdreg.scid  }
0x8b: {  	s0 =	sand.u32 $0x1, s1  }
0x8c: {  	s17 =	sshll.u32 s0, $0xA;
	s2 =	sadd.s32 s3, s2  }
0x8d: {  	s2 =	sadd.s32 s2, s17  }
0x8e: {  	[smem:$0x3FC3] =	sst s2  }
0x8f: {  	_ = 	snop  }
0x90: {  	s2 =	sld [smem:$0x3FC8]  }
0x91: {  	s18 =	sld [smem:$0x3FD0];
	(tm) =	ssettm $0x1  }
0x92: {  	s4 =	sld [smem:$0x3FFB];
	_ =	sdelay $0x3  }
0x93: {  	_ =	strace s4  }
0x94: {  	s4 =	sld [smem:$0x3FFC];
	_ =	sdelay $0x3  }
0x95: {  	_ =	strace s4  }
0x96: {  	s4 =	sld [smem:$0x3FFD];
	_ =	sdelay $0x3  }
0x97: {  	_ =	strace s4  }
0x98: {  	_ =	strace $0x8FFFFFFF  }
0x99: {  	s19 =	sld [smem:$0x3FDB];
	_ =	sdelay $0x1  }
0x9a: {  	s5 =	simm.s32 $_scs_section_size  }
0x9b: {  	s6 =	simm.s32 $_size__tile_overlayer_lowered;
	s7 =	simm.s32 $_tile_overlayer_lowered  }
0x9c: {  	s22 =	simm.s32 $0x1BFF;
	s21 =	sshll.u32 s7, $0x1;
	s4 =	sadd.s32 s5, s19  }
0x9d: {  	s8 =	simm.s32 $0x0;
	s20 =	sshll.u32 s6, $0x1;
	s6 =	sadd.s32 s21, s4  }
0x9e: {  	[timem:s8], [sflag:s22] =	dma.local [hbm:s6], s20  }
0x9f: {  	_ =	swait.ge [sflag:s22], s20  }
0xa0: {  	s5 =	ssub.s32 $0x0, s20;
	[sflag:s22] =	ssyncset.done $0x0  }
0xa1: {  	[sflag:s22] =	ssyncadd.s32 s5;
	_ =	sdelay $0x1  }
0xa2: {  	s23 =	simm.s32 $0x1B8B  }
0xa3: {  	_ =	swait.ge [sflag:s23], $0x1  }
0xa4: {  	[sflag:s23] =	ssyncset.done $0x0  }
0xa5: {  	s25 =	simm.s32 $0x1B8E;
	s24 =	sld [smem:$0x3FFE];
	[sflag:s23] =	ssyncadd.s32 $0xFFFFFFFF  }
0xa6: {  	s26 =	simm.s32 $execute0_lowered;
	[smem:$0x3FD2] =	sst s25  }
0xa7: {  	s6 =	sshll.u32 s26, $0x1;
	_ =	strace $0x80000046;
	[dreg:$0x1] =	wrdreg $0xFFFFFFFF  }
0xa8: {  	s28 =	simm.s32 $_size_execute0_lowered;
	s4 =	sadd.s32 s4, s6;
	[dreg:$0x0] =	wrdreg $0x0  }
0xa9: {  	s6 =	sshll.u32 s28, $0x1;
	[dreg:$0x2] =	wrdreg s4  }
0xaa: {  	[dreg:$0x3] =	wrdreg s6  }
0xab: {  	[dreg:$0x4] =	wrdreg $0xC0  }
0xac: {  	_ =	task [dreg:s8], $0x5FFFF  }
0xad: {  	[dreg:$0x1] =	wrdreg $0xFFFFFFFF  }
0xae: {  	[dreg:$0x0] =	wrdreg $0x60  }
0xaf: {  	[dreg:$0x2] =	wrdreg s24  }
0xb0: {  	[dreg:$0x3] =	wrdreg s2  }
0xb1: {  	[dreg:$0x4] =	wrdreg s18  }
0xb2: {  	[dreg:$0x5] =	wrdreg $0x9  }
0xb3: {  	_ =	task.clear_ibuf [dreg:s8], $0x6FFFF;
	_ =	strace $0x90000046  }
0xb4: {  	s29 =	simm.s32 $0x9;
	_ =	strace $0x80000048  }
0xb5: {  	_ =	swait.ge [sflag:s29], $0x1  }
0xb6: {  	[sflag:s29] =	ssyncadd.s32 $0xFFFFFFFF  }
0xb7: {  	_ =	strace $0x90000048  }
0xb8: {  	_ =	sfence  }
0xb9: {  	s30 =	sld [smem:$0x0];
	_ =	sdelay $0x2  }
0xba: {  	s31 =	sshll.u32 s1, $0xD;
	s1 =	sshrl.u32 s1, $0x2  }
0xbb: {  	s3 =	sand.u32 $0x4000, s31;
	s1 =	sadd.s32 s1, s30  }
0xbc: {  	s0 =	sor.u32 s3, s0;
	s1 =	sshll.u32 s1, $0x11  }
0xbd: {  	s0 =	sor.u32 s1, s0  }
0xbe: {  	s0 =	sadd.s32 $0x8F2B, s0  }
0xbf: {  	[sflag:s0] =	ssyncadd.remote.s32 $0x1  }
0xc0: {  	_ =	sfence.sel $0xFFFF  }
0xc1: {  	[dreg:$0x0] =	wrdreg $0xFFFFFFFF;
	(pc) =	sbr.abs _section_cstart, $3  }
0xc2: {  	[dreg:$0x1] =	wrdreg $0xFFFFFFFF  }
0xc3: {  	_ =	task.clear_ibuf [dreg:s8], $0x2FFFF;
	_ =	strace $0x9FFFFFFF  }
0xc4: {  	(tm) =	ssettm $0x7FFFFFFF  }
0xc5: {  	_ =	shalt  }
tec
execute0_lowered:
.L_overlay_start_1:
0x0: {  	(tag) =	ssettag $0x1  }
0x1: {  	s0 =	rddreg [dreg:$0x0]  }
0x2: {  	s2 =	rddreg [dreg:$0x1]  }
0x3: {  	s4 =	rddreg [dreg:$0x2]  }
0x4: {  	s3 =	srdreg.scid;
	s1 =	stileid.u32;
	s25 =	simm.s32 $0x880  }
0x5: {  	s26 =	simm.s32 $0x1080;
	s10 =	simm.s32 $0x2080;
	s11 =	simm.s32 $0x2880  }
0x6: {  	s12 =	simm.s32 $0x3080;
	s13 =	simm.s32 $0x3880;
	s14 =	simm.s32 $0x4080  }
0x7: {  	s15 =	simm.s32 $0x4880;
	s16 =	simm.s32 $0x5080;
	s17 =	simm.s32 $0x5880  }
0x8: {  	s18 =	simm.s32 $0x6080;
	s19 =	simm.s32 $0x6880;
	s20 =	simm.s32 $0x7080  }
0x9: {  	s21 =	simm.s32 $0x7880;
	s28 =	simm.s32 $0xA880;
	s29 =	simm.s32 $0xB080  }
0xa: {  	s30 =	simm.s32 $0xB880;
	s31 =	simm.s32 $0x2;
	s5 =	sand.u32 $0x1, s3  }
0xb: {  	s3 =	simm.s32 $0x0;
	s6 =	sshll.u32 s1, $0x4;
	s7 =	sshll.u32 s5, $0x3  }
0xc: {  	[smem:$0x7FF] =	sst s3;
	s5 =	ssub.s32 $0x2, s5;
	s6 =	sor.u32 s7, s6  }
0xd: {  	_ =	strace $0x80000047;
	s8 =	sshrl.u32 s5, $0x1;
	[dreg:$0x7] =	wrdreg s25  }
0xe: {  	[dreg:$0x8] =	wrdreg s26;
	s25 =	simm.s32 $0x9880;
	s7 =	smul.u32 $0x1800, s6  }
0xf: {  	s26 =	simm.s32 $0xA080;
	s0 =	sadd.s32 s6, s0;
	s6 =	smul.u32 $0x300, s6  }
0x10: {  	s23 =	ssub.s32 s5, s8;
	s5 =	sadd.s32 $0x200, s2;
	s0 =	sadd.s32 $0xC00, s0  }
0x11: {  	s8 =	simm.s32 $0x80;
	s7 =	sshrl.u32 s7, $0x3;
	[dreg:$0x4] =	wrdreg s0  }
0x12: {  	s22 =	sadd.s32 s4, s6;
	s6 =	smax.u32 s23, $0x1;
	s23 =	simm.s32 $0x8880  }
0x13: {  	v2 =	vlaneseq.u32;
	s0 =	simm.s32 $0x3;
	s4 =	sadd.s32 s4, s7;
	[dreg:$0x5] =	wrdreg s22  }
0x14: {  	vm0 =	vmmov $0xffff;
	v1 =	vshrl.u32 v2, $0x3;
	s7 =	simm.s32 $0x1;
	s22 =	simm.s32 $0x8080;
	s24 =	sadd.s32 $0xC00, s4  }
0x15: {  	v0 =	vand.u32 $0x7, v2;
	v2 =	vor.u32 $0x8, v2;
	v1 =	vmul.u32 $0x8, v1;
	s4 =	sadd.s32 $0x100, s2;
	[dreg:$0x6] =	wrdreg s24;
	s24 =	simm.s32 $0x9080  }
.LBB2_1:
0x16: {  	s1 =	rddreg [dreg:$0x4]  }
0x17: {  	[tilespmem:s3], [sflag:$0x1] =	stream.linear.gather [hbm4b:s1+s3], $0x40, $0x38;
	[tilespmem:$0xC080] =	vst v63  }
0x18: {  	_ =	swait.ge [sflag:s7], $0x40  }
0x19: {  	[sflag:s7] =	ssyncset.done $0x0  }
0x1a: {  	[sflag:s7] =	ssyncadd.s32 $0xFFFFFFC0  }
0x1b: {  	v3 =	vld [tilespmem:$0x0];
	_ =	sdelay $0x4  }
0x1c: {  	v4 =	vshrl.u32 v3, $0x3  }
0x1d: {  	v4 =	vmul.u32 $0x30, v4  }
0x1e: {  	v3 =	vand.u32 $0x7, v3  }
0x1f: {  	v3 =	vor.u32 v3, v4  }
0x20: {  	v4 =	vperm.xlane v3, v0;
	_ =	sdelay $0x1  }
0x21: {  	v4 =	vadd.s32 v1, v4;
	_ =	sdelay $0x3  }
0x22: {  	v3 =	vperm.xlane v3, v2  }
0x23: {  	[tilespmem:s8], [sflag:$0x2] =	stream.indirect_vreg.gather [hbm4b:s2+s3], $0x80, v4, vm0, $0xb8;
	[tilespmem:$0xC080] =	vst v63  }
0x24: {  	s1 =	rddreg [dreg:$0x7];
	v3 =	vadd.s32 v1, v3  }
0x25: {  	[tilespmem:s1], [sflag:$0x2] =	stream.indirect_vreg.gather [hbm4b:s4+s3], $0x80, v4, vm0, $0xb8;
	[tilespmem:$0xC080] =	vst v63  }
0x26: {  	s9 =	rddreg [dreg:$0x8]  }
0x27: {  	[tilespmem:s9], [sflag:$0x2] =	stream.indirect_vreg.gather [hbm4b:s5+s3], $0x80, v4, vm0, $0xb8;
	[tilespmem:$0xC080] =	vst v63  }
0x28: {  	s9 =	simm.s32 $0x1880  }
0x29: {  	[tilespmem:s9], [sflag:$0x2] =	stream.indirect_vreg.gather [hbm4b:s2+s3], $0x80, v3, vm0, $0xb8;
	[tilespmem:$0xC080] =	vst v63  }
0x2a: {  	_ = 	snop  }
0x2b: {  	[tilespmem:s10], [sflag:$0x2] =	stream.indirect_vreg.gather [hbm4b:s4+s3], $0x80, v3, vm0, $0xb8;
	[tilespmem:$0xC080] =	vst v63  }
0x2c: {  	_ = 	snop  }
0x2d: {  	[tilespmem:s11], [sflag:$0x2] =	stream.indirect_vreg.gather [hbm4b:s5+s3], $0x80, v3, vm0, $0xb8;
	[tilespmem:$0xC080] =	vst v63  }
0x2e: {  	v3 =	vld [tilespmem:$0x10];
	_ =	sdelay $0x4  }
0x2f: {  	v61 =	vshrl.u32 v3, $0x3  }
0x30: {  	v4 =	vmul.u32 $0x30, v61  }
0x31: {  	v3 =	vand.u32 $0x7, v3  }
0x32: {  	v3 =	vor.u32 v3, v4  }
0x33: {  	v4 =	vperm.xlane v3, v0;
	_ =	sdelay $0x1  }
0x34: {  	v4 =	vadd.s32 v1, v4;
	_ =	sdelay $0x3  }
0x35: {  	v3 =	vperm.xlane v3, v2  }
0x36: {  	[tilespmem:s12], [sflag:$0x2] =	stream.indirect_vreg.gather [hbm4b:s2+s3], $0x80, v4, vm0, $0xb8;
	[tilespmem:$0xC080] =	vst v63  }
0x37: {  	v3 =	vadd.s32 v1, v3  }
0x38: {  	[tilespmem:s13], [sflag:$0x2] =	stream.indirect_vreg.gather [hbm4b:s4+s3], $0x80, v4, vm0, $0xb8;
	[tilespmem:$0xC080] =	vst v63  }
0x39: {  	_ = 	snop  }
0x3a: {  	[tilespmem:s14], [sflag:$0x2] =	stream.indirect_vreg.gather [hbm4b:s5+s3], $0x80, v4, vm0, $0xb8;
	[tilespmem:$0xC080] =	vst v63  }
0x3b: {  	_ = 	snop  }
0x3c: {  	[tilespmem:s15], [sflag:$0x2] =	stream.indirect_vreg.gather [hbm4b:s2+s3], $0x80, v3, vm0, $0xb8;
	[tilespmem:$0xC080] =	vst v63  }
0x3d: {  	_ = 	snop  }
0x3e: {  	[tilespmem:s16], [sflag:$0x2] =	stream.indirect_vreg.gather [hbm4b:s4+s3], $0x80, v3, vm0, $0xb8;
	[tilespmem:$0xC080] =	vst v63  }
0x3f: {  	_ = 	snop  }
0x40: {  	[tilespmem:s17], [sflag:$0x2] =	stream.indirect_vreg.gather [hbm4b:s5+s3], $0x80, v3, vm0, $0xb8;
	[tilespmem:$0xC080] =	vst v63  }
0x41: {  	v3 =	vld [tilespmem:$0x20];
	_ =	sdelay $0x4  }
0x42: {  	v62 =	vshrl.u32 v3, $0x3  }
0x43: {  	v4 =	vmul.u32 $0x30, v62  }
0x44: {  	v3 =	vand.u32 $0x7, v3  }
0x45: {  	v3 =	vor.u32 v3, v4  }
0x46: {  	v4 =	vperm.xlane v3, v0;
	_ =	sdelay $0x1  }
0x47: {  	v4 =	vadd.s32 v1, v4;
	_ =	sdelay $0x3  }
0x48: {  	v3 =	vperm.xlane v3, v2  }
0x49: {  	[tilespmem:s18], [sflag:$0x2] =	stream.indirect_vreg.gather [hbm4b:s2+s3], $0x80, v4, vm0, $0xb8;
	[tilespmem:$0xC080] =	vst v63  }
0x4a: {  	v3 =	vadd.s32 v1, v3  }
0x4b: {  	[tilespmem:s19], [sflag:$0x2] =	stream.indirect_vreg.gather [hbm4b:s4+s3], $0x80, v4, vm0, $0xb8;
	[tilespmem:$0xC080] =	vst v63  }
0x4c: {  	_ = 	snop  }
0x4d: {  	[tilespmem:s20], [sflag:$0x2] =	stream.indirect_vreg.gather [hbm4b:s5+s3], $0x80, v4, vm0, $0xb8;
	[tilespmem:$0xC080] =	vst v63  }
0x4e: {  	_ = 	snop  }
0x4f: {  	[tilespmem:s21], [sflag:$0x2] =	stream.indirect_vreg.gather [hbm4b:s2+s3], $0x80, v3, vm0, $0xb8;
	[tilespmem:$0xC080] =	vst v63  }
0x50: {  	_ = 	snop  }
0x51: {  	[tilespmem:s22], [sflag:$0x2] =	stream.indirect_vreg.gather [hbm4b:s4+s3], $0x80, v3, vm0, $0xb8;
	[tilespmem:$0xC080] =	vst v63  }
0x52: {  	_ = 	snop  }
0x53: {  	[tilespmem:s23], [sflag:$0x2] =	stream.indirect_vreg.gather [hbm4b:s5+s3], $0x80, v3, vm0, $0xb8;
	[tilespmem:$0xC080] =	vst v63  }
0x54: {  	v3 =	vld [tilespmem:$0x30];
	_ =	sdelay $0x4  }
0x55: {  	v63 =	vshrl.u32 v3, $0x3  }
0x56: {  	v4 =	vmul.u32 $0x30, v63  }
0x57: {  	v3 =	vand.u32 $0x7, v3  }
0x58: {  	v3 =	vor.u32 v3, v4  }
0x59: {  	v4 =	vperm.xlane v3, v0;
	_ =	sdelay $0x1  }
0x5a: {  	v4 =	vadd.s32 v1, v4;
	_ =	sdelay $0x3  }
0x5b: {  	v3 =	vperm.xlane v3, v2  }
0x5c: {  	[tilespmem:s24], [sflag:$0x2] =	stream.indirect_vreg.gather [hbm4b:s2+s3], $0x80, v4, vm0, $0xb8;
	[tilespmem:$0xC080] =	vst v63  }
0x5d: {  	v3 =	vadd.s32 v1, v3  }
0x5e: {  	[tilespmem:s25], [sflag:$0x2] =	stream.indirect_vreg.gather [hbm4b:s4+s3], $0x80, v4, vm0, $0xb8;
	[tilespmem:$0xC080] =	vst v63  }
0x5f: {  	_ = 	snop  }
0x60: {  	[tilespmem:s26], [sflag:$0x2] =	stream.indirect_vreg.gather [hbm4b:s5+s3], $0x80, v4, vm0, $0xb8;
	[tilespmem:$0xC080] =	vst v63  }
0x61: {  	_ = 	snop  }
0x62: {  	[tilespmem:s28], [sflag:$0x2] =	stream.indirect_vreg.gather [hbm4b:s2+s3], $0x80, v3, vm0, $0xb8;
	[tilespmem:$0xC080] =	vst v63  }
0x63: {  	_ = 	snop  }
0x64: {  	[tilespmem:s29], [sflag:$0x2] =	stream.indirect_vreg.gather [hbm4b:s4+s3], $0x80, v3, vm0, $0xb8;
	[tilespmem:$0xC080] =	vst v63  }
0x65: {  	_ = 	snop  }
0x66: {  	[tilespmem:s30], [sflag:$0x2] =	stream.indirect_vreg.gather [hbm4b:s5+s3], $0x80, v3, vm0, $0xb8;
	[tilespmem:$0xC080] =	vst v63  }
0x67: {  	_ =	swait.ge [sflag:s31], $0x6000  }
0x68: {  	[sflag:s31] =	ssyncset.done $0x0  }
0x69: {  	s9 =	rddreg [dreg:$0x5];
	[sflag:s31] =	ssyncadd.s32 $0xFFFFA000  }
0x6a: {  	[hbm4b:s9+s3] =	stream.linear.scatter [tilespmem:s8], [sflag:$0x3], $0x6000, $0x38;
	[tilespmem:$0xC080] =	vst v63  }
0x6b: {  	_ =	swait.ge [sflag:s31], $0x6000  }
0x6c: {  	[sflag:s31] =	ssyncset.done $0x0  }
0x6d: {  	s9 =	rddreg [dreg:$0x6];
	[sflag:s31] =	ssyncadd.s32 $0xFFFFA000  }
0x6e: {  	[hbm4b:s9+s3] =	stream.linear.scatter [tilespmem:s18], [sflag:$0x3], $0x6000, $0x38;
	[tilespmem:$0xC080] =	vst v63  }
0x6f: {  	p0 =	sne.s32 s6, $0x1;
	_ =	swait.ge [sflag:s0], $0x6000  }
.Ltmp0:
0x70: {  	[sflag:s0] =	ssyncset.done $0x0;
	(pc) =	sbr.rel @p0 .LBB2_1-.Ltmp0, $4  }
0x71: {  	[sflag:s0] =	ssyncadd.s32 $0xFFFFA000  }
0x72: {  	_ =	swait.ge [sflag:s0], $0x6000  }
0x73: {  	[sflag:s0] =	ssyncset.done $0x0  }
0x74: {  	s6 =	sadd.s32 $0xFFFFFFFF, s6;
	[sflag:s0] =	ssyncadd.s32 $0xFFFFA000  }
0x75: {  	_ =	sfence.sel $0x180000  }
0x76: {  	[bflag:$0x0] =	sbarrier.arrive $0xFFFF  }
0x77: {  	_ =	strace $0x90000047  }
0x78: {  	s0 =	stileid.u32;
	[bflag:$0x2] =	sbarrier.arrive $0xFFFF  }
0x79: {  	p0 =	sne.s32 s0, $0x0;
	s0 =	rddreg [dreg:$0x3]  }
0x7a: {  	s0 =	sadd.s32 @!p0 $0x100000, s0  }
0x7b: {  	[sflag:s0] =	ssyncadd.tile.s32 @!p0 $0x1;
	_ =	shalt  }
.Lfunc_end2:
_tile_overlayer_lowered:
.L_overlay_start_2:
0x7c: {  	(tag) =	ssettag $0x2  }
0x7d: {  	s0 =	rddreg [dreg:$0x0];
	s2 =	stileid.u32  }
0x7e: {  	s1 =	rddreg [dreg:$0x1];
	p0 =	sne.s32 s2, $0x0  }
0x7f: {  	s3 =	rddreg [dreg:$0x2];
	[bflag:$0x3] =	sbarrier.arrive $0xFFFF;
	s2 =	simm.s32 @!p0 $0x1C04  }
0x80: {  	[timem:s3], [sflag:s2] =	dma.local @!p0 [hbm:s0], s1  }
0x81: {  	s0 =	simm.s32 @!p0 $0x4  }
0x82: {  	_ =	swait.ge @!p0 [sflag:s0], s1  }
0x83: {  	s1 =	ssub.s32 @!p0 $0x0, s1;
	[sflag:s0] =	ssyncset.done @!p0 $0x0  }
0x84: {  	[sflag:s0] =	ssyncadd.s32 @!p0 s1  }
0x85: {  	[bflag:$0x3] =	sbarrier.arrive $0xFFFF  }
0x86: {  	_ =	shalt  }

</sc_bundles>
